<compile_context>
chip_gen: v7x
topology: tpu7x:2x2x1
jax: 0.10.2.dev20260603
libtpu: 0.0.44.dev20260713+nightly
codegen_flags: <defaults>
</compile_context>

<pallas_src>
import jax
import jax.numpy as jnp
from jax import lax
from jax.experimental import pallas as pl
from jax.experimental.pallas import tpu as pltpu
from jax.experimental.pallas import tpu_sc as plsc

N = 10000
E = 320000
D = 128
G = 32

NC = 2
NS = 16
NW = NC * NS
EW = E // NW
B = 80
ITERS = EW // B
NP = 10240
RP = NP // NS

PK = NP // 4
PB = PK // 8

_mesh = plsc.VectorSubcoreMesh(core_axis_name="c", subcore_axis_name="s")

_f32 = jnp.float32


def _general_relu(v):
    v = jnp.where(v >= 0, v, 0.1 * v) - 0.4
    return jnp.minimum(v, 6.0)



def _deg_body(dst_hbm, zeros_hbm, ones_hbm, out_hbm, didx_v, ones_v, sem,
              acc_sh):
    cid = lax.axis_index("c")
    sid = lax.axis_index("s")
    wid = cid * NS + sid
    row = pl.ds(sid * RP, RP)
    pltpu.async_copy(dst_hbm.at[wid], didx_v, sem)
    pltpu.sync_copy(zeros_hbm.at[row], acc_sh.at[row])
    pltpu.sync_copy(ones_hbm, ones_v)
    pltpu.make_async_copy(dst_hbm.at[wid], didx_v, sem).wait()
    plsc.subcore_barrier()

    def _issue(j):
        pltpu.async_copy(ones_v, acc_sh.at[didx_v.at[j]], sem, add=True)

    def _wait(j):
        pltpu.make_async_copy(ones_v, acc_sh.at[didx_v.at[j]], sem).wait()

    _issue(0)
    _issue(1)

    @pl.loop(0, ITERS, step=2)
    def _(k):
        for b in range(2):
            j = k + b

            @pl.when(j < ITERS)
            def _():
                _wait(j)

                @pl.when(j + 2 < ITERS)
                def _():
                    _issue(j + 2)

    plsc.subcore_barrier()
    pltpu.sync_copy(acc_sh.at[row], out_hbm.at[cid, row])


@jax.jit
def _sc_degree(dst3):
    zeros = jnp.zeros((NP, G), _f32)
    ones = jnp.ones((B, G), _f32)
    k = pl.kernel(
        _deg_body,
        out_type=jax.ShapeDtypeStruct((NC, NP, G), _f32),
        mesh=_mesh,
        compiler_params=pltpu.CompilerParams(use_tc_tiling_on_sc=False),
        scratch_types=[
            pltpu.VMEM((ITERS, B), jnp.int32),
            pltpu.VMEM((B, G), _f32),
            pltpu.SemaphoreType.DMA,
            pltpu.VMEM_SHARED((NP, G), _f32),
        ],
    )
    return k(dst3, zeros, ones)


def _prop_body(src_hbm, dst_hbm, hs_hbm, zeros_hbm, out_hbm,
               sidx_v, didx_v, rows_v, isem, gsem, hs_sh, acc_sh):
    cid = lax.axis_index("c")
    sid = lax.axis_index("s")
    wid = cid * NS + sid
    row = pl.ds(sid * RP, RP)
    pltpu.async_copy(src_hbm.at[wid], sidx_v, isem)
    pltpu.async_copy(dst_hbm.at[wid], didx_v, isem)
    pltpu.sync_copy(zeros_hbm.at[row], acc_sh.at[row])
    pltpu.sync_copy(hs_hbm.at[row], hs_sh.at[row])
    pltpu.make_async_copy(src_hbm.at[wid], sidx_v, isem).wait()
    pltpu.make_async_copy(dst_hbm.at[wid], didx_v, isem).wait()
    plsc.subcore_barrier()

    def _gather(j, b):
        pltpu.async_copy(hs_sh.at[sidx_v.at[j]], rows_v.at[b], gsem.at[b])

    def _gwait(j, b):
        pltpu.make_async_copy(hs_sh.at[sidx_v.at[j]], rows_v.at[b],
                              gsem.at[b]).wait()

    _gather(0, 0)
    _gather(1, 1)

    @pl.loop(0, ITERS, step=2)
    def _(k):
        for b in range(2):
            j = k + b

            @pl.when(j < ITERS)
            def _():
                _gwait(j, b)
                pltpu.sync_copy(rows_v.at[b], acc_sh.at[didx_v.at[j]],
                                add=True)

                @pl.when(j + 2 < ITERS)
                def _():
                    _gather(j + 2, b)

    plsc.subcore_barrier()
    pltpu.sync_copy(acc_sh.at[row], out_hbm.at[cid, row])


@jax.jit
def _sc_propagate(src3, dst3, hs):
    zeros = jnp.zeros((NP, G), _f32)
    k = pl.kernel(
        _prop_body,
        out_type=jax.ShapeDtypeStruct((NC, NP, G), _f32),
        mesh=_mesh,
        compiler_params=pltpu.CompilerParams(use_tc_tiling_on_sc=False),
        scratch_types=[
            pltpu.VMEM((ITERS, B), jnp.int32),
            pltpu.VMEM((ITERS, B), jnp.int32),
            pltpu.VMEM((2, B, G), _f32),
            pltpu.SemaphoreType.DMA,
            pltpu.SemaphoreType.DMA((2,)),
            pltpu.VMEM_SHARED((NP, G), _f32),
            pltpu.VMEM_SHARED((NP, G), _f32),
        ],
    )
    return k(src3, dst3, hs, zeros)



def _rows(shape):
    return pl.BlockSpec((PB,) + shape, lambda i: (i,) + (0,) * len(shape))


def _full(shape):
    return pl.BlockSpec(shape, lambda i: (0,) * len(shape))


def _acc_spec():
    return pl.BlockSpec((NC, PB, 128), lambda i: (0, i, 0))


def _dot(a, b):
    return jnp.dot(a, b, preferred_element_type=_f32)


def _mm_body(x_ref, w_ref, o_ref):
    o_ref[...] = _dot(x_ref[...], w_ref[...])


def _tc_matmul(x_r4, w_bd):
    return pl.pallas_call(
        _mm_body,
        grid=(8,),
        in_specs=[_rows((4 * D,)), _full((4 * D, 128))],
        out_specs=_rows((128,)),
        out_shape=jax.ShapeDtypeStruct((PK, 128), _f32),
    )(x_r4, w_bd)


def _scale_body(cnt_ref, h0_ref, dis_ref, hs_ref, selfc_ref):
    deg = cnt_ref[0] + cnt_ref[1] + 1.0
    dis = jax.lax.rsqrt(deg)
    h0 = h0_ref[...]
    dis_ref[...] = dis
    hs_ref[...] = h0 * dis
    selfc_ref[...] = h0 * (dis * dis)


def _tc_scale0(cnt, h0):
    return pl.pallas_call(
        _scale_body,
        grid=(8,),
        in_specs=[_acc_spec(), _rows((128,))],
        out_specs=(_rows((128,)), _rows((128,)), _rows((128,))),
        out_shape=(
            jax.ShapeDtypeStruct((PK, 128), _f32),
            jax.ShapeDtypeStruct((PK, 128), _f32),
            jax.ShapeDtypeStruct((PK, 128), _f32),
        ),
    )(cnt, h0)


def _layer_body(acc_ref, selfc_ref, dis_ref, b_ref, w_ref, hs_ref, selfc2_ref):
    dis = dis_ref[...]
    a = acc_ref[0] + acc_ref[1]
    h = _general_relu(dis * a + selfc_ref[...] + b_ref[...])
    hp = _dot(h, w_ref[...])
    hs_ref[...] = hp * dis
    selfc2_ref[...] = hp * (dis * dis)


def _tc_layer(acc, selfc, dis, b_p, w_bd):
    return pl.pallas_call(
        _layer_body,
        grid=(8,),
        in_specs=[_acc_spec(), _rows((128,)), _rows((128,)),
                  _full((1, 128)), _full((128, 128))],
        out_specs=(_rows((128,)), _rows((128,))),
        out_shape=(
            jax.ShapeDtypeStruct((PK, 128), _f32),
            jax.ShapeDtypeStruct((PK, 128), _f32),
        ),
    )(acc, selfc, dis, b_p, w_bd)


def _head_body(acc_ref, selfc_ref, dis_ref, b_ref,
               dw_ref, db_ref, sw_ref, sb_ref, ow_ref, ob_ref,
               out_ref, ssl_ref):
    dis = dis_ref[...]
    a = acc_ref[0] + acc_ref[1]
    h = _general_relu(dis * a + selfc_ref[...] + b_ref[...])
    dense = _general_relu(_dot(h, dw_ref[...]) + db_ref[...])
    out_ref[...] = _dot(dense, ow_ref[...]) + ob_ref[...]
    ssl_ref[...] = _dot(h, sw_ref[...]) + sb_ref[...]


def _tc_head(acc, selfc, dis, b_p, dw_bd, db_p, sw_bd, sb_p, ow_bd, ob_p):
    return pl.pallas_call(
        _head_body,
        grid=(8,),
        in_specs=[_acc_spec(), _rows((128,)), _rows((128,)), _full((1, 128)),
                  _full((128, 256)), _full((1, 256)),
                  _full((128, 12)), _full((1, 12)),
                  _full((256, 4)), _full((1, 4))],
        out_specs=(_rows((4,)), _rows((12,))),
        out_shape=(
            jax.ShapeDtypeStruct((PK, 4), _f32),
            jax.ShapeDtypeStruct((PK, 12), _f32),
        ),
    )(acc, selfc, dis, b_p, dw_bd, db_p, sw_bd, sb_p, ow_bd, ob_p)



def _bd(w):
    return jnp.kron(jnp.eye(4, dtype=_f32), w)


def _tile4(b):
    return jnp.tile(b, 4).reshape(1, -1)


@jax.jit
def kernel(x, edge_index, gcn0_W, gcn0_b, gcn1_W, gcn1_b,
           dense_W, dense_b, ssl_W, ssl_b, out_W, out_b):
    src3 = edge_index[0].reshape(NW, ITERS, B)
    dst3 = edge_index[1].reshape(NW, ITERS, B)
    x_r4 = jnp.pad(x, ((0, NP - N), (0, 0))).reshape(PK, 4 * D)

    cnt = _sc_degree(dst3)
    h0 = _tc_matmul(x_r4, _bd(gcn0_W))

    dis, hs0, selfc0 = _tc_scale0(cnt.reshape(NC, PK, 128), h0)
    acc0 = _sc_propagate(src3, dst3, hs0.reshape(NP, G))
    hs1, selfc1 = _tc_layer(acc0.reshape(NC, PK, 128), selfc0, dis,
                            _tile4(gcn0_b), _bd(gcn1_W))
    acc1 = _sc_propagate(src3, dst3, hs1.reshape(NP, G))
    out_p, ssl_p = _tc_head(acc1.reshape(NC, PK, 128), selfc1, dis,
                            _tile4(gcn1_b),
                            _bd(dense_W), _tile4(dense_b),
                            _bd(ssl_W), _tile4(ssl_b),
                            _bd(out_W), _tile4(out_b))
    return (out_p.reshape(NP, 1)[:N], ssl_p.reshape(NP, 3)[:N])

# --- scband reference (transcript-rebuilt; emitter-appended) ---
"""Pipeline reference for scband-learn-to-rank-model-18038862644007 (READ-ONLY COPY).

The authoritative reference and input builder live on the scoring server;
editing this copy changes nothing except your own understanding.
"""

import jax, jax.numpy as jnp
import numpy as np

N = 10000
E = 320000
D = 128
G0 = 32
G1 = 32
DENSE = 64


def _glorot(key, shape):
    fan_in, fan_out = shape[0], shape[1]
    scale = jnp.sqrt(2.0 / (fan_in + fan_out))
    return jax.random.normal(key, shape, dtype=jnp.float32) * scale


def setup_inputs(seed: int = 0) -> dict:
    key = jax.random.key(seed)
    ks = jax.random.split(key, 12)
    x = jax.random.normal(ks[0], (N, D), dtype=jnp.float32)
    edge_index = jax.random.randint(ks[1], (2, E), 0, N, dtype=jnp.int32)
    return {
        'x': x,
        'edge_index': edge_index,
        'gcn0_W': _glorot(ks[2], (D, G0)),
        'gcn0_b': jnp.zeros((G0,), dtype=jnp.float32),
        'gcn1_W': _glorot(ks[3], (G0, G1)),
        'gcn1_b': jnp.zeros((G1,), dtype=jnp.float32),
        'dense_W': _glorot(ks[4], (G1, DENSE)),
        'dense_b': jnp.zeros((DENSE,), dtype=jnp.float32),
        'ssl_W': _glorot(ks[5], (G1, 3)),
        'ssl_b': jnp.zeros((3,), dtype=jnp.float32),
        'out_W': _glorot(ks[6], (DENSE, 1)),
        'out_b': jnp.zeros((1,), dtype=jnp.float32),
    }


def _general_relu(x, leak=0.1, sub=0.4, maxv=6.0):
    x = jnp.where(x >= 0, x, leak * x)
    x = x - sub
    return jnp.minimum(x, maxv)


def _gcn_conv(x, src, dst, W, b, n):
    # PyG GCNConv: add self-loops, symmetric normalization, linear-then-propagate
    h = x @ W
    deg = jnp.zeros((n,), dtype=x.dtype).at[dst].add(1.0)
    deg_inv_sqrt = jnp.where(deg > 0, jax.lax.rsqrt(jnp.maximum(deg, 1e-12)), 0.0)
    norm = deg_inv_sqrt[src] * deg_inv_sqrt[dst]
    msgs = h[src] * norm[:, None]
    out = jnp.zeros_like(h).at[dst].add(msgs)
    return out + b


def reference(x, edge_index, gcn0_W, gcn0_b, gcn1_W, gcn1_b, dense_W, dense_b, ssl_W, ssl_b, out_W, out_b):
    n = x.shape[0]
    loop = jnp.arange(n, dtype=edge_index.dtype)
    src = jnp.concatenate([edge_index[0], loop])
    dst = jnp.concatenate([edge_index[1], loop])
    h = _general_relu(_gcn_conv(x, src, dst, gcn0_W, gcn0_b, n))
    h = _general_relu(_gcn_conv(h, src, dst, gcn1_W, gcn1_b, n))
    dense = _general_relu(h @ dense_W + dense_b)
    ssl_outputs = h @ ssl_W + ssl_b
    outputs = dense @ out_W + out_b
    return (outputs, ssl_outputs)

if __name__ == "__main__":
    import jax
    _d = setup_inputs()
    print(jax.jit(kernel)(*tuple(_d.values())))

</pallas_src>

<mosaic_0001>
#map = affine_map<(d0, d1) -> (0, 0, 0)>
#map1 = affine_map<(d0, d1) -> (0, 0)>
module attributes {stable_mosaic.version = 14 : i64} {
  func.func @_deg_body(%arg0: i32, %arg1: i32, %arg2: memref<32x125x80xi32, #tpu.memory_space<hbm>>, %arg3: memref<10240x32xf32, #tpu.memory_space<hbm>>, %arg4: memref<80x32xf32, #tpu.memory_space<hbm>>, %arg5: memref<2x10240x32xf32, #tpu.memory_space<hbm>>, %arg6: memref<125x80xi32, #tpu.memory_space<vmem>>, %arg7: memref<80x32xf32, #tpu.memory_space<vmem>>, %arg8: memref<!tpu.dma_semaphore, #tpu.memory_space<semaphore_mem>>, %arg9: memref<10240x32xf32, #tpu.memory_space<vmem_shared>>) attributes {dimension_semantics = [#tpu.dimension_semantics<core_parallel>, #tpu.dimension_semantics<subcore_parallel>], iteration_bounds = array<i64: 2, 16>, scalar_prefetch = 0 : i64, scratch_operands = 4 : i64, tpu.core_type = #tpu.core_type<sc_vector_subcore>, window_params = [{transform_indices = #map}, {transform_indices = #map1}, {transform_indices = #map1}, {transform_indices = #map}]} {
    %mul3A = arith.constant 16 : i32
    %mul3A_0 = arith.muli %arg0, %mul3A : i32
    %add3A = arith.addi %mul3A_0, %arg1 : i32
    %mul3A_1 = arith.constant 640 : i32
    %mul3A_2 = arith.muli %arg1, %mul3A_1 : i32
    %dma_start3A = arith.constant 0 : i32
    %dma_start3A_3 = arith.constant 0 : i32
    %dma_start3A_4 = tpu.memref_slice %arg2[%add3A, %dma_start3A, %dma_start3A_3] : memref<32x125x80xi32, #tpu.memory_space<hbm>> -> memref<1x125x80xi32, #tpu.memory_space<hbm>>
    %dma_start3A_5 = tpu.memref_squeeze %dma_start3A_4 : memref<1x125x80xi32, #tpu.memory_space<hbm>> -> memref<125x80xi32, #tpu.memory_space<hbm>>
    %dma_start3A_6 = arith.constant 0 : i32
    %dma_start3A_7 = arith.constant 0 : i32
    %dma_start3A_8 = tpu.memref_slice %arg2[%add3A, %dma_start3A_6, %dma_start3A_7] : memref<32x125x80xi32, #tpu.memory_space<hbm>> -> memref<1x125x80xi32, #tpu.memory_space<hbm>>
    %dma_start3A_9 = tpu.memref_squeeze %dma_start3A_8 : memref<1x125x80xi32, #tpu.memory_space<hbm>> -> memref<125x80xi32, #tpu.memory_space<hbm>>
    tpu.enqueue_dma source(%dma_start3A_9 : memref<125x80xi32, #tpu.memory_space<hbm>>) target(%arg6 : memref<125x80xi32, #tpu.memory_space<vmem>>) target_semaphore(%arg8 : memref<!tpu.dma_semaphore, #tpu.memory_space<semaphore_mem>>)
    "tpu.region"() ({
      %run_scoped3A = tpu.sem_alloc : memref<!tpu.dma_semaphore, #tpu.memory_space<semaphore_mem>>
      %dma_start3A_36 = arith.constant 0 : i32
      %dma_start3A_37 = tpu.memref_slice %arg9[%mul3A_2, %dma_start3A_36] : memref<10240x32xf32, #tpu.memory_space<vmem_shared>> -> memref<640x32xf32, #tpu.memory_space<vmem_shared>>
      %dma_start3A_38 = arith.constant 0 : i32
      %dma_start3A_39 = tpu.memref_slice %arg3[%mul3A_2, %dma_start3A_38] : memref<10240x32xf32, #tpu.memory_space<hbm>> -> memref<640x32xf32, #tpu.memory_space<hbm>>
      tpu.enqueue_dma source(%dma_start3A_39 : memref<640x32xf32, #tpu.memory_space<hbm>>) target(%dma_start3A_37 : memref<640x32xf32, #tpu.memory_space<vmem_shared>>) target_semaphore(%run_scoped3A : memref<!tpu.dma_semaphore, #tpu.memory_space<semaphore_mem>>)
      %dma_wait3A_40 = arith.constant 0 : i32
      %dma_wait3A_41 = tpu.memref_slice %arg9[%mul3A_2, %dma_wait3A_40] : memref<10240x32xf32, #tpu.memory_space<vmem_shared>> -> memref<640x32xf32, #tpu.memory_space<vmem_shared>>
      %dma_wait3A_42 = arith.constant 0 : i32
      %dma_wait3A_43 = tpu.memref_slice %arg3[%mul3A_2, %dma_wait3A_42] : memref<10240x32xf32, #tpu.memory_space<hbm>> -> memref<640x32xf32, #tpu.memory_space<hbm>>
      tpu.wait_dma2 semaphore(%run_scoped3A : memref<!tpu.dma_semaphore, #tpu.memory_space<semaphore_mem>>) src(%dma_wait3A_43 : memref<640x32xf32, #tpu.memory_space<hbm>>) dst(%dma_wait3A_41 : memref<640x32xf32, #tpu.memory_space<vmem_shared>>)
      tpu.yield
    }) : () -> ()
    "tpu.region"() ({
      %run_scoped3A = tpu.sem_alloc : memref<!tpu.dma_semaphore, #tpu.memory_space<semaphore_mem>>
      tpu.enqueue_dma source(%arg4 : memref<80x32xf32, #tpu.memory_space<hbm>>) target(%arg7 : memref<80x32xf32, #tpu.memory_space<vmem>>) target_semaphore(%run_scoped3A : memref<!tpu.dma_semaphore, #tpu.memory_space<semaphore_mem>>)
      tpu.wait_dma2 semaphore(%run_scoped3A : memref<!tpu.dma_semaphore, #tpu.memory_space<semaphore_mem>>) src(%arg4 : memref<80x32xf32, #tpu.memory_space<hbm>>) dst(%arg7 : memref<80x32xf32, #tpu.memory_space<vmem>>)
      tpu.yield
    }) : () -> ()
    %dma_wait3A = arith.constant 0 : i32
    %dma_wait3A_10 = arith.constant 0 : i32
    %dma_wait3A_11 = tpu.memref_slice %arg2[%add3A, %dma_wait3A, %dma_wait3A_10] : memref<32x125x80xi32, #tpu.memory_space<hbm>> -> memref<1x125x80xi32, #tpu.memory_space<hbm>>
    %dma_wait3A_12 = tpu.memref_squeeze %dma_wait3A_11 : memref<1x125x80xi32, #tpu.memory_space<hbm>> -> memref<125x80xi32, #tpu.memory_space<hbm>>
    %dma_wait3A_13 = arith.constant 0 : i32
    %dma_wait3A_14 = arith.constant 0 : i32
    %dma_wait3A_15 = tpu.memref_slice %arg2[%add3A, %dma_wait3A_13, %dma_wait3A_14] : memref<32x125x80xi32, #tpu.memory_space<hbm>> -> memref<1x125x80xi32, #tpu.memory_space<hbm>>
    %dma_wait3A_16 = tpu.memref_squeeze %dma_wait3A_15 : memref<1x125x80xi32, #tpu.memory_space<hbm>> -> memref<125x80xi32, #tpu.memory_space<hbm>>
    tpu.wait_dma2 semaphore(%arg8 : memref<!tpu.dma_semaphore, #tpu.memory_space<semaphore_mem>>) src(%dma_wait3A_16 : memref<125x80xi32, #tpu.memory_space<hbm>>) dst(%arg6 : memref<125x80xi32, #tpu.memory_space<vmem>>)
    %barrier3A = arith.constant 0 : index
    tpu.barrier barrier_id(%barrier3A)
    %dma_start3A_17 = arith.constant 0 : i32
    %dma_start3A_18 = arith.constant 0 : i32
    %dma_start3A_19 = tpu.memref_slice %arg6[%dma_start3A_17, %dma_start3A_18] : memref<125x80xi32, #tpu.memory_space<vmem>> -> memref<1x80xi32, #tpu.memory_space<vmem>>
    %dma_start3A_20 = tpu.memref_squeeze %dma_start3A_19 : memref<1x80xi32, #tpu.memory_space<vmem>> -> memref<80xi32, #tpu.memory_space<vmem>>
    %dma_start3A_21 = arith.constant 0 : i32
    %dma_start3A_22 = arith.constant 0 : i32
    %dma_start3A_23 = tpu.memref_slice %arg9[%dma_start3A_21, %dma_start3A_22] : memref<10240x32xf32, #tpu.memory_space<vmem_shared>> -> memref<10240x32xf32, #tpu.memory_space<vmem_shared>>
    tpu.enqueue_indirect_dma source(%arg7 : memref<80x32xf32, #tpu.memory_space<vmem>>) target(%dma_start3A_23 : memref<10240x32xf32, #tpu.memory_space<vmem_shared>>) offsets(%dma_start3A_20 : memref<80xi32, #tpu.memory_space<vmem>>) semaphore(%arg8 : memref<!tpu.dma_semaphore, #tpu.memory_space<semaphore_mem>>) {add = true}
    %dma_start3A_24 = arith.constant 1 : i32
    %dma_start3A_25 = arith.constant 0 : i32
    %dma_start3A_26 = tpu.memref_slice %arg6[%dma_start3A_24, %dma_start3A_25] : memref<125x80xi32, #tpu.memory_space<vmem>> -> memref<1x80xi32, #tpu.memory_space<vmem>>
    %dma_start3A_27 = tpu.memref_squeeze %dma_start3A_26 : memref<1x80xi32, #tpu.memory_space<vmem>> -> memref<80xi32, #tpu.memory_space<vmem>>
    %dma_start3A_28 = arith.constant 0 : i32
    %dma_start3A_29 = arith.constant 0 : i32
    %dma_start3A_30 = tpu.memref_slice %arg9[%dma_start3A_28, %dma_start3A_29] : memref<10240x32xf32, #tpu.memory_space<vmem_shared>> -> memref<10240x32xf32, #tpu.memory_space<vmem_shared>>
    tpu.enqueue_indirect_dma source(%arg7 : memref<80x32xf32, #tpu.memory_space<vmem>>) target(%dma_start3A_30 : memref<10240x32xf32, #tpu.memory_space<vmem_shared>>) offsets(%dma_start3A_27 : memref<80xi32, #tpu.memory_space<vmem>>) semaphore(%arg8 : memref<!tpu.dma_semaphore, #tpu.memory_space<semaphore_mem>>) {add = true}
    %scan3A = arith.constant 0 : i32
    %scan3A_31 = arith.constant 63 : i32
    %scan3A_32 = arith.addi %scan3A, %scan3A_31 : i32
    %scan3A_33 = arith.constant 1 : i32
    scf.for %scan3A_36 = %scan3A to %scan3A_32 step %scan3A_33  : i32 {
      %mul3A_37 = arith.constant 2 : i32
      %mul3A_38 = arith.muli %scan3A_36, %mul3A_37 : i32
      %add3A_39 = arith.constant 0 : i32
      %add3A_40 = arith.addi %add3A_39, %mul3A_38 : i32
      %add3A_41 = arith.constant 0 : i32
      %add3A_42 = arith.addi %add3A_40, %add3A_41 : i32
      %lt3A = arith.constant 125 : i32
      %lt3A_43 = arith.cmpi slt, %add3A_42, %lt3A : i32
      %convert_element_type3A = arith.extui %lt3A_43 : i1 to i32
      %cond3A = arith.constant 0 : i32
      %cond3A_44 = arith.cmpi ne, %convert_element_type3A, %cond3A : i32
      scf.if %cond3A_44 {
        %dma_wait3A_52 = arith.constant 0 : i32
        %dma_wait3A_53 = tpu.memref_slice %arg6[%add3A_42, %dma_wait3A_52] : memref<125x80xi32, #tpu.memory_space<vmem>> -> memref<1x80xi32, #tpu.memory_space<vmem>>
        %dma_wait3A_54 = tpu.memref_squeeze %dma_wait3A_53 : memref<1x80xi32, #tpu.memory_space<vmem>> -> memref<80xi32, #tpu.memory_space<vmem>>
        %dma_wait3A_55 = arith.constant 0 : i32
        %dma_wait3A_56 = arith.constant 0 : i32
        %dma_wait3A_57 = tpu.memref_slice %arg9[%dma_wait3A_55, %dma_wait3A_56] : memref<10240x32xf32, #tpu.memory_space<vmem_shared>> -> memref<10240x32xf32, #tpu.memory_space<vmem_shared>>
        tpu.wait_indirect_dma semaphore(%arg8 : memref<!tpu.dma_semaphore, #tpu.memory_space<semaphore_mem>>) src(%arg7 : memref<80x32xf32, #tpu.memory_space<vmem>>) dst(%dma_wait3A_57 : memref<10240x32xf32, #tpu.memory_space<vmem_shared>>)
        %add3A_58 = arith.constant 2 : i32
        %add3A_59 = arith.addi %add3A_42, %add3A_58 : i32
        %lt3A_60 = arith.constant 125 : i32
        %lt3A_61 = arith.cmpi slt, %add3A_59, %lt3A_60 : i32
        %convert_element_type3A_62 = arith.extui %lt3A_61 : i1 to i32
        %cond3A_63 = arith.constant 0 : i32
        %cond3A_64 = arith.cmpi ne, %convert_element_type3A_62, %cond3A_63 : i32
        scf.if %cond3A_64 {
          %add3A_65 = arith.constant 2 : i32
          %add3A_66 = arith.addi %add3A_42, %add3A_65 : i32
          %dma_start3A_67 = arith.constant 0 : i32
          %dma_start3A_68 = tpu.memref_slice %arg6[%add3A_66, %dma_start3A_67] : memref<125x80xi32, #tpu.memory_space<vmem>> -> memref<1x80xi32, #tpu.memory_space<vmem>>
          %dma_start3A_69 = tpu.memref_squeeze %dma_start3A_68 : memref<1x80xi32, #tpu.memory_space<vmem>> -> memref<80xi32, #tpu.memory_space<vmem>>
          %dma_start3A_70 = arith.constant 0 : i32
          %dma_start3A_71 = arith.constant 0 : i32
          %dma_start3A_72 = tpu.memref_slice %arg9[%dma_start3A_70, %dma_start3A_71] : memref<10240x32xf32, #tpu.memory_space<vmem_shared>> -> memref<10240x32xf32, #tpu.memory_space<vmem_shared>>
          tpu.enqueue_indirect_dma source(%arg7 : memref<80x32xf32, #tpu.memory_space<vmem>>) target(%dma_start3A_72 : memref<10240x32xf32, #tpu.memory_space<vmem_shared>>) offsets(%dma_start3A_69 : memref<80xi32, #tpu.memory_space<vmem>>) semaphore(%arg8 : memref<!tpu.dma_semaphore, #tpu.memory_space<semaphore_mem>>) {add = true}
        } else {
        }
      } else {
      }
      %add3A_45 = arith.constant 1 : i32
      %add3A_46 = arith.addi %add3A_40, %add3A_45 : i32
      %lt3A_47 = arith.constant 125 : i32
      %lt3A_48 = arith.cmpi slt, %add3A_46, %lt3A_47 : i32
      %convert_element_type3A_49 = arith.extui %lt3A_48 : i1 to i32
      %cond3A_50 = arith.constant 0 : i32
      %cond3A_51 = arith.cmpi ne, %convert_element_type3A_49, %cond3A_50 : i32
      scf.if %cond3A_51 {
        %dma_wait3A_52 = arith.constant 0 : i32
        %dma_wait3A_53 = tpu.memref_slice %arg6[%add3A_46, %dma_wait3A_52] : memref<125x80xi32, #tpu.memory_space<vmem>> -> memref<1x80xi32, #tpu.memory_space<vmem>>
        %dma_wait3A_54 = tpu.memref_squeeze %dma_wait3A_53 : memref<1x80xi32, #tpu.memory_space<vmem>> -> memref<80xi32, #tpu.memory_space<vmem>>
        %dma_wait3A_55 = arith.constant 0 : i32
        %dma_wait3A_56 = arith.constant 0 : i32
        %dma_wait3A_57 = tpu.memref_slice %arg9[%dma_wait3A_55, %dma_wait3A_56] : memref<10240x32xf32, #tpu.memory_space<vmem_shared>> -> memref<10240x32xf32, #tpu.memory_space<vmem_shared>>
        tpu.wait_indirect_dma semaphore(%arg8 : memref<!tpu.dma_semaphore, #tpu.memory_space<semaphore_mem>>) src(%arg7 : memref<80x32xf32, #tpu.memory_space<vmem>>) dst(%dma_wait3A_57 : memref<10240x32xf32, #tpu.memory_space<vmem_shared>>)
        %add3A_58 = arith.constant 2 : i32
        %add3A_59 = arith.addi %add3A_46, %add3A_58 : i32
        %lt3A_60 = arith.constant 125 : i32
        %lt3A_61 = arith.cmpi slt, %add3A_59, %lt3A_60 : i32
        %convert_element_type3A_62 = arith.extui %lt3A_61 : i1 to i32
        %cond3A_63 = arith.constant 0 : i32
        %cond3A_64 = arith.cmpi ne, %convert_element_type3A_62, %cond3A_63 : i32
        scf.if %cond3A_64 {
          %add3A_65 = arith.constant 2 : i32
          %add3A_66 = arith.addi %add3A_46, %add3A_65 : i32
          %dma_start3A_67 = arith.constant 0 : i32
          %dma_start3A_68 = tpu.memref_slice %arg6[%add3A_66, %dma_start3A_67] : memref<125x80xi32, #tpu.memory_space<vmem>> -> memref<1x80xi32, #tpu.memory_space<vmem>>
          %dma_start3A_69 = tpu.memref_squeeze %dma_start3A_68 : memref<1x80xi32, #tpu.memory_space<vmem>> -> memref<80xi32, #tpu.memory_space<vmem>>
          %dma_start3A_70 = arith.constant 0 : i32
          %dma_start3A_71 = arith.constant 0 : i32
          %dma_start3A_72 = tpu.memref_slice %arg9[%dma_start3A_70, %dma_start3A_71] : memref<10240x32xf32, #tpu.memory_space<vmem_shared>> -> memref<10240x32xf32, #tpu.memory_space<vmem_shared>>
          tpu.enqueue_indirect_dma source(%arg7 : memref<80x32xf32, #tpu.memory_space<vmem>>) target(%dma_start3A_72 : memref<10240x32xf32, #tpu.memory_space<vmem_shared>>) offsets(%dma_start3A_69 : memref<80xi32, #tpu.memory_space<vmem>>) semaphore(%arg8 : memref<!tpu.dma_semaphore, #tpu.memory_space<semaphore_mem>>) {add = true}
        } else {
        }
      } else {
      }
    }
    %scan3A_34 = arith.constant 63 : i32
    %barrier3A_35 = arith.constant 0 : index
    tpu.barrier barrier_id(%barrier3A_35)
    "tpu.region"() ({
      %run_scoped3A = tpu.sem_alloc : memref<!tpu.dma_semaphore, #tpu.memory_space<semaphore_mem>>
      %dma_start3A_36 = arith.constant 0 : i32
      %dma_start3A_37 = tpu.memref_slice %arg5[%arg0, %mul3A_2, %dma_start3A_36] : memref<2x10240x32xf32, #tpu.memory_space<hbm>> -> memref<1x640x32xf32, #tpu.memory_space<hbm>>
      %dma_start3A_38 = tpu.memref_squeeze %dma_start3A_37 : memref<1x640x32xf32, #tpu.memory_space<hbm>> -> memref<640x32xf32, #tpu.memory_space<hbm>>
      %dma_start3A_39 = arith.constant 0 : i32
      %dma_start3A_40 = tpu.memref_slice %arg9[%mul3A_2, %dma_start3A_39] : memref<10240x32xf32, #tpu.memory_space<vmem_shared>> -> memref<640x32xf32, #tpu.memory_space<vmem_shared>>
      tpu.enqueue_dma source(%dma_start3A_40 : memref<640x32xf32, #tpu.memory_space<vmem_shared>>) target(%dma_start3A_38 : memref<640x32xf32, #tpu.memory_space<hbm>>) target_semaphore(%run_scoped3A : memref<!tpu.dma_semaphore, #tpu.memory_space<semaphore_mem>>)
      %dma_wait3A_41 = arith.constant 0 : i32
      %dma_wait3A_42 = tpu.memref_slice %arg5[%arg0, %mul3A_2, %dma_wait3A_41] : memref<2x10240x32xf32, #tpu.memory_space<hbm>> -> memref<1x640x32xf32, #tpu.memory_space<hbm>>
      %dma_wait3A_43 = tpu.memref_squeeze %dma_wait3A_42 : memref<1x640x32xf32, #tpu.memory_space<hbm>> -> memref<640x32xf32, #tpu.memory_space<hbm>>
      %dma_wait3A_44 = arith.constant 0 : i32
      %dma_wait3A_45 = tpu.memref_slice %arg9[%mul3A_2, %dma_wait3A_44] : memref<10240x32xf32, #tpu.memory_space<vmem_shared>> -> memref<640x32xf32, #tpu.memory_space<vmem_shared>>
      tpu.wait_dma2 semaphore(%run_scoped3A : memref<!tpu.dma_semaphore, #tpu.memory_space<semaphore_mem>>) src(%dma_wait3A_45 : memref<640x32xf32, #tpu.memory_space<vmem_shared>>) dst(%dma_wait3A_43 : memref<640x32xf32, #tpu.memory_space<hbm>>)
      tpu.yield
    }) : () -> ()
    return
  }
}

</mosaic_0001>

<sc_bundles>
// kernel: _sc_degree.3.cloned.1.call-start
scs
__scs_entry_jumppad:
0x0: {  	(pc) =	sbr.rel $0x88, $3  }
0x1: {  	(tag) =	ssettag $0x0;
	lr =	simm.s32 $0x1  }
0x2: {  	[smem:$0x3FA0] =	sst lr;
	_ =	strace $0xD0000000  }
0x3: {  	_ = 	snop  }
0x4: {  	_ = 	snop  }
0x5: {  	_ = 	snop  }
0x6: {  	_ = 	snop  }
0x7: {  	_ = 	snop  }
__scs_overlays_trampoline_lowered:
0x8: {  	[smem:$0x3FAF] =	sst s0  }
0x9: {  	[smem:$0x3FB0] =	sst s1  }
0xa: {  	[smem:$0x3FB1] =	sst s2  }
0xb: {  	[smem:$0x3FB2] =	sst s3  }
0xc: {  	[smem:$0x3FB3] =	sst s4  }
0xd: {  	[smem:$0x3FB4] =	sst s5  }
0xe: {  	[smem:$0x3FB5] =	sst s6  }
0xf: {  	[smem:$0x3FB6] =	sst s7  }
0x10: {  	[smem:$0x3FB7] =	sst s8  }
0x11: {  	[smem:$0x3FB8] =	sst s9;
	s0 =	simm.s32 @!p0 $0x0  }
0x12: {  	s1 =	sld [smem:$0x3F9E];
	s0 =	simm.s32 @p0 $0x1  }
0x13: {  	[smem:$0x3FB9] =	sst s0;
	s0 =	simm.s32 @!p1 $0x0  }
0x14: {  	s2 =	sld [smem:$0x3F9D];
	s0 =	simm.s32 @p1 $0x1  }
0x15: {  	[smem:$0x3FBA] =	sst s0;
	s0 =	simm.s32 @!p2 $0x0  }
0x16: {  	s3 =	sld [smem:$0x3FDB];
	s0 =	simm.s32 @p2 $0x1  }
0x17: {  	s4 =	simm.s32 $0x1BF5;
	[smem:$0x3FBC] =	sst s0  }
0x18: {  	s0 =	sld [smem:$0x3F9F];
	_ =	swait.ge [sflag:s4], $0x0  }
0x19: {  	s7 =	sld [smem:$0x3FA0]  }
0x1a: {  	s8 =	sadd.s32 $0xFFFFE003, lr  }
0x1b: {  	s9 =	sadd.s32 $0xFFFFFEF7, lr;
	s5 =	simm.s32 $0xFFFFFFFF;
	p2 =	slt.u32 s8, $0xFFFFF086  }
0x1c: {  	p1 =	slt.u32 s9, $0xF7A;
	s5 =	simm.s32 @!p2 $0x0  }
0x1d: {  	s5 =	simm.s32 @p1 $0x1;
	p0 =	seq.s32 s7, s2  }
0x1e: {  	s7 =	smul.u32 @!p0 $0xF7A, s2;
	p2 =	seq.s32 @!p0 s5, $0x0  }
0x1f: {  	s9 =	smul.u32 $0xF7A, s1;
	s8 =	simm.s32 @!p0 $0x1BF5;
	p2 =	por !p2, p0  }
0x20: {  	[sflag:s8] =	ssyncset.s32 @!p0 $0xFFFFF086;
	s6 =	sadd.s32 @!p0 s3, s7;
	s7 =	simm.s32 @!p0 $0x108  }
0x21: {  	s3 =	sadd.s32 s3, s9;
	s6 =	sadd.s32 @!p0 $0x88, s6;
	s7 =	simm.s32 @p2 $0x1082  }
0x22: {  	[simem:s7], [sflag:s8] =	dma.local @!p0 [hbm:s6], $0xF7A  }
0x23: {  	s9 =	sor.u32 $0xD0000000, s2;
	s6 =	simm.s32 $0x108;
	_ =	swait.ge @!p0 [sflag:s8], $0x0  }
0x24: {  	s3 =	sadd.s32 $0x88, s3;
	s6 =	simm.s32 @!p1 $0x1082;
	[sflag:s4] =	ssyncset.s32 $0xFFFFF086  }
0x25: {  	[simem:s6], [sflag:s4] =	dma.local [hbm:s3], $0xF7A  }
0x26: {  	[smem:$0x3FA0] =	sst s1;
	(tag) =	ssettag s2;
	_ =	strace s9  }
0x27: {  	s1 =	sld [smem:$0x3FB0]  }
0x28: {  	s2 =	sld [smem:$0x3FB1]  }
0x29: {  	s4 =	sld [smem:$0x3FB3]  }
0x2a: {  	p0 =	seq.s32 s5, $0x0;
	s5 =	sld [smem:$0x3FB4]  }
0x2b: {  	s6 =	sld [smem:$0x3FB5]  }
0x2c: {  	s7 =	sld [smem:$0x3FB6]  }
0x2d: {  	s3 =	simm.s32 $0x108;
	s8 =	sld [smem:$0x3FB7]  }
0x2e: {  	s3 =	simm.s32 @!p0 $0x1082;
	s9 =	sld [smem:$0x3FB8]  }
0x2f: {  	lr =	sadd.s32 s0, s3;
	s0 =	sld [smem:$0x3FAF]  }
0x30: {  	s3 =	sld [smem:$0x3FB2]  }
0x31: {  	[smem:$0x3FBB] =	sst s10  }
0x32: {  	s10 =	sld [smem:$0x3FB9];
	_ =	sdelay $0x3  }
0x33: {  	p0 =	seq.s32 s10, $0x1;
	s10 =	sld [smem:$0x3FBB];
	_ =	sdelay $0x3  }
0x34: {  	[smem:$0x3FBB] =	sst s10  }
0x35: {  	s10 =	sld [smem:$0x3FBA];
	_ =	sdelay $0x3  }
0x36: {  	p1 =	seq.s32 s10, $0x1;
	s10 =	sld [smem:$0x3FBB];
	_ =	sdelay $0x3  }
0x37: {  	[smem:$0x3FBB] =	sst s10  }
0x38: {  	s10 =	sld [smem:$0x3FBC]  }
0x39: {  	_ = 	snop;
	(pc) =	sbr.ind lr, $3  }
0x3a: {  	_ = 	snop  }
0x3b: {  	_ = 	snop  }
0x3c: {  	p2 =	seq.s32 s10, $0x1;
	s10 =	sld [smem:$0x3FBB]  }
0x3d: {  	_ =	shalt  }
0x3e: {  	_ =	shalt  }
0x3f: {  	_ =	shalt  }
0x40: {  	_ =	shalt  }
0x41: {  	_ =	shalt  }
0x42: {  	_ =	shalt  }
0x43: {  	_ =	shalt  }
0x44: {  	_ =	shalt  }
0x45: {  	_ =	shalt  }
0x46: {  	_ =	shalt  }
0x47: {  	_ =	shalt  }
0x48: {  	_ =	shalt  }
0x49: {  	_ =	shalt  }
0x4a: {  	_ =	shalt  }
0x4b: {  	_ =	shalt  }
0x4c: {  	_ =	shalt  }
0x4d: {  	_ =	shalt  }
0x4e: {  	_ =	shalt  }
0x4f: {  	_ =	shalt  }
0x50: {  	_ =	shalt  }
0x51: {  	_ =	shalt  }
0x52: {  	_ =	shalt  }
0x53: {  	_ =	shalt  }
0x54: {  	_ =	shalt  }
0x55: {  	_ =	shalt  }
0x56: {  	_ =	shalt  }
0x57: {  	_ =	shalt  }
0x58: {  	_ =	shalt  }
0x59: {  	_ =	shalt  }
0x5a: {  	_ =	shalt  }
0x5b: {  	_ =	shalt  }
0x5c: {  	_ =	shalt  }
0x5d: {  	_ =	shalt  }
0x5e: {  	_ =	shalt  }
0x5f: {  	_ =	shalt  }
0x60: {  	_ =	shalt  }
0x61: {  	_ =	shalt  }
0x62: {  	_ =	shalt  }
0x63: {  	_ =	shalt  }
0x64: {  	_ =	shalt  }
0x65: {  	_ =	shalt  }
0x66: {  	_ =	shalt  }
0x67: {  	_ =	shalt  }
0x68: {  	_ =	shalt  }
0x69: {  	_ =	shalt  }
0x6a: {  	_ =	shalt  }
0x6b: {  	_ =	shalt  }
0x6c: {  	_ =	shalt  }
0x6d: {  	_ =	shalt  }
0x6e: {  	_ =	shalt  }
0x6f: {  	_ =	shalt  }
0x70: {  	_ =	shalt  }
0x71: {  	_ =	shalt  }
0x72: {  	_ =	shalt  }
0x73: {  	_ =	shalt  }
0x74: {  	_ =	shalt  }
0x75: {  	_ =	shalt  }
0x76: {  	_ =	shalt  }
0x77: {  	_ =	shalt  }
0x78: {  	_ =	shalt  }
0x79: {  	_ =	shalt  }
0x7a: {  	_ =	shalt  }
0x7b: {  	_ =	shalt  }
0x7c: {  	_ =	shalt  }
0x7d: {  	_ =	shalt  }
0x7e: {  	_ =	shalt  }
0x7f: {  	_ =	shalt  }
0x80: {  	_ =	shalt  }
0x81: {  	_ =	shalt  }
0x82: {  	_ =	shalt  }
0x83: {  	_ =	shalt  }
0x84: {  	_ =	shalt  }
0x85: {  	_ =	shalt  }
0x86: {  	_ =	shalt  }
0x87: {  	_ =	shalt  }
.Lfunc_end0:
.L_simem_size_0:
called_computation_lowered:
.L_overlay_start_0:
0x88: {  	s2 =	sld [smem:$0x3FD9]  }
0x89: {  	s3 =	sld [smem:$0x3FFE];
	_ =	sdelay $0x1  }
0x8a: {  	s1 =	srdreg.scid  }
0x8b: {  	s0 =	sand.u32 $0x1, s1  }
0x8c: {  	s17 =	sshll.u32 s0, $0xA;
	s2 =	sadd.s32 s3, s2  }
0x8d: {  	s2 =	sadd.s32 s2, s17  }
0x8e: {  	[smem:$0x3FC7] =	sst s2  }
0x8f: {  	_ = 	snop  }
0x90: {  	s2 =	sld [smem:$0x3FD0];
	(tm) =	ssettm $0x1  }
0x91: {  	s18 =	sld [smem:$0x3FFB];
	_ =	sdelay $0x3  }
0x92: {  	_ =	strace s18  }
0x93: {  	s3 =	sld [smem:$0x3FFC];
	_ =	sdelay $0x3  }
0x94: {  	_ =	strace s3  }
0x95: {  	s3 =	sld [smem:$0x3FFD];
	_ =	sdelay $0x3  }
0x96: {  	_ =	strace s3  }
0x97: {  	_ =	strace $0x8FFFFFFF  }
0x98: {  	s19 =	sld [smem:$0x3FDB];
	_ =	sdelay $0x1  }
0x99: {  	s4 =	simm.s32 $_scs_section_size  }
0x9a: {  	s5 =	simm.s32 $_size__tile_overlayer_lowered;
	s6 =	simm.s32 $_tile_overlayer_lowered  }
0x9b: {  	s22 =	simm.s32 $0x1BFF;
	s21 =	sshll.u32 s6, $0x1;
	s3 =	sadd.s32 s4, s19  }
0x9c: {  	s7 =	simm.s32 $0x0;
	s20 =	sshll.u32 s5, $0x1;
	s5 =	sadd.s32 s21, s3  }
0x9d: {  	[timem:s7], [sflag:s22] =	dma.local [hbm:s5], s20  }
0x9e: {  	_ =	swait.ge [sflag:s22], s20  }
0x9f: {  	s4 =	ssub.s32 $0x0, s20;
	[sflag:s22] =	ssyncset.done $0x0  }
0xa0: {  	[sflag:s22] =	ssyncadd.s32 s4;
	_ =	sdelay $0x1  }
0xa1: {  	s23 =	simm.s32 $0x1B8B  }
0xa2: {  	_ =	swait.ge [sflag:s23], $0x1  }
0xa3: {  	[sflag:s23] =	ssyncset.done $0x0  }
0xa4: {  	s25 =	simm.s32 $0x1B8E;
	s24 =	sld [smem:$0x3FFE];
	[sflag:s23] =	ssyncadd.s32 $0xFFFFFFFF  }
0xa5: {  	s26 =	simm.s32 $execute0_lowered;
	[smem:$0x3FD2] =	sst s25  }
0xa6: {  	s5 =	sshll.u32 s26, $0x1;
	_ =	strace $0x80000046;
	[dreg:$0x1] =	wrdreg $0xFFFFFFFF  }
0xa7: {  	s28 =	simm.s32 $_size_execute0_lowered;
	s3 =	sadd.s32 s3, s5;
	[dreg:$0x0] =	wrdreg $0x0  }
0xa8: {  	s5 =	sshll.u32 s28, $0x1;
	[dreg:$0x2] =	wrdreg s3  }
0xa9: {  	[dreg:$0x3] =	wrdreg s5  }
0xaa: {  	[dreg:$0x4] =	wrdreg $0xC0  }
0xab: {  	_ =	task [dreg:s7], $0x5FFFF  }
0xac: {  	[dreg:$0x1] =	wrdreg $0xFFFFFFFF  }
0xad: {  	[dreg:$0x0] =	wrdreg $0x60  }
0xae: {  	[dreg:$0x2] =	wrdreg s24  }
0xaf: {  	[dreg:$0x3] =	wrdreg s2  }
0xb0: {  	[dreg:$0x4] =	wrdreg $0x31100  }
0xb1: {  	[dreg:$0x5] =	wrdreg $0x9  }
0xb2: {  	_ =	task.clear_ibuf [dreg:s7], $0x6FFFF;
	_ =	strace $0x90000046  }
0xb3: {  	s29 =	simm.s32 $0x9;
	_ =	strace $0x80000048  }
0xb4: {  	_ =	swait.ge [sflag:s29], $0x1  }
0xb5: {  	[sflag:s29] =	ssyncadd.s32 $0xFFFFFFFF  }
0xb6: {  	_ =	strace $0x90000048  }
0xb7: {  	_ =	sfence  }
0xb8: {  	s30 =	sld [smem:$0x0];
	_ =	sdelay $0x2  }
0xb9: {  	s31 =	sshll.u32 s1, $0xD;
	s1 =	sshrl.u32 s1, $0x2  }
0xba: {  	s3 =	sand.u32 $0x4000, s31;
	s1 =	sadd.s32 s1, s30  }
0xbb: {  	s0 =	sor.u32 s3, s0;
	s1 =	sshll.u32 s1, $0x11  }
0xbc: {  	s0 =	sor.u32 s1, s0  }
0xbd: {  	s0 =	sadd.s32 $0x8F2B, s0  }
0xbe: {  	[sflag:s0] =	ssyncadd.remote.s32 $0x1  }
0xbf: {  	_ =	sfence.sel $0xFFFF  }
0xc0: {  	[dreg:$0x0] =	wrdreg $0xFFFFFFFF;
	(pc) =	sbr.abs _section_cstart, $3  }
0xc1: {  	[dreg:$0x1] =	wrdreg $0xFFFFFFFF  }
0xc2: {  	_ =	task.clear_ibuf [dreg:s7], $0x2FFFF;
	_ =	strace $0x9FFFFFFF  }
0xc3: {  	(tm) =	ssettm $0x7FFFFFFF  }
tec
execute0_lowered:
.L_overlay_start_1:
0x0: {  	(tag) =	ssettag $0x1  }
0x1: {  	s4 =	rddreg [dreg:$0x0]  }
0x2: {  	s8 =	rddreg [dreg:$0x1]  }
0x3: {  	s0 =	srdreg.scid;
	s2 =	rddreg [dreg:$0x2];
	s3 =	simm.s32 $0x0  }
0x4: {  	s14 =	simm.s32 $0x50;
	s15 =	simm.s32 $0xA0;
	s16 =	simm.s32 $0x0  }
0x5: {  	s5 =	sand.u32 $0x1, s0;
	s0 =	stileid.u32;
	[smem:$0x7FF] =	sst s3  }
0x6: {  	s1 =	sshll.u32 s5, $0x4;
	s7 =	smul.u32 $0x5000, s0;
	s10 =	ssub.s32 $0x2, s5  }
0x7: {  	s12 =	smul.u32 $0x50000, s5;
	s13 =	sshll.u32 s0, $0x6;
	s6 =	sor.u32 s0, s1  }
0x8: {  	s1 =	rddreg [dreg:$0x3];
	_ =	strace $0x80000047;
	s11 =	sshrl.u32 s10, $0x1  }
0x9: {  	s6 =	smul.u32 $0x4E2, s6;
	s9 =	sshrl.u32 s7, $0x3;
	s10 =	ssub.s32 s10, s11  }
0xa: {  	s30 =	sadd.s32 s7, s2;
	s12 =	sadd.s32 s7, s12;
	s7 =	sor.u32 $0x1C02, s13  }
0xb: {  	s11 =	simm.s32 $0x2;
	s13 =	simm.s32 $0x1;
	s9 =	sadd.s32 s9, s4  }
0xc: {  	s31 =	sshrl.u32 s12, $0x3;
	s12 =	simm.s32 $0x2710;
	s6 =	sadd.s32 s6, s4  }
0xd: {  	s4 =	sadd.s32 $0xA200, s4;
	s8 =	sadd.s32 s8, s31;
	s5 =	sadd.s32 $0x400, s6  }
0xe: {  	s6 =	sadd.s32 $0xA400, s9;
	s9 =	smax.u32 s10, $0x1;
	s10 =	sshrl.u32 s30, $0x3  }
.LBB2_1:
0xf: {  	[tilespmem:s3], [sflag:$0x1] =	stream.linear.gather [hbm4b:s5+s3], $0x2710, $0x38;
	[tilespmem:$0x8110] =	vst v63  }
0x10: {  	[spmem:s10], [sflag:s7] =	dma.local [hbm:s6], $0xA00  }
0x11: {  	_ =	swait.ge [sflag:s11], $0xA00  }
0x12: {  	[sflag:s11] =	ssyncset.done $0x0  }
0x13: {  	[sflag:s11] =	ssyncadd.s32 $0xFFFFF600  }
0x14: {  	[tilespmem:s12], [sflag:$0x2] =	stream.linear.gather [hbm4b:s4+s3], $0xA00, $0x38;
	[tilespmem:$0x8110] =	vst v63  }
0x15: {  	_ =	swait.ge [sflag:s11], $0xA00  }
0x16: {  	[sflag:s11] =	ssyncset.done $0x0  }
0x17: {  	[sflag:s11] =	ssyncadd.s32 $0xFFFFF600  }
0x18: {  	_ =	swait.ge [sflag:s13], $0x2710  }
0x19: {  	[sflag:s13] =	ssyncset.done $0x0  }
0x1a: {  	[sflag:s13] =	ssyncadd.s32 $0xFFFFD8F0  }
0x1b: {  	[bflag:$0x0] =	sbarrier.arrive $0xFFFF  }
0x1c: {  	[spmem:s2] =	stream.indirect.scatter.add.f32 [tilespmem:s12], [sflag:$0x1], $0x20, s3, s14, $0xb8;
	[tilespmem:$0x8110] =	vst v63  }
0x1d: {  	_ = 	snop  }
0x1e: {  	[spmem:s2] =	stream.indirect.scatter.add.f32 [tilespmem:s12], [sflag:$0x1], $0x20, s14, s14, $0xb8;
	[tilespmem:$0x8110] =	vst v63  }
0x1f: {  	_ =	swait.ge [sflag:s13], $0xA00  }
0x20: {  	[sflag:s13] =	ssyncset.done $0x0  }
0x21: {  	[sflag:s13] =	ssyncadd.s32 $0xFFFFF600  }
0x22: {  	[spmem:s2] =	stream.indirect.scatter.add.f32 [tilespmem:s12], [sflag:$0x1], $0x20, s15, s14, $0xb8;
	[tilespmem:$0x8110] =	vst v63  }
0x23: {  	_ =	swait.ge [sflag:s13], $0xA00  }
0x24: {  	[sflag:s13] =	ssyncset.done $0x0  }
0x25: {  	s17 =	simm.s32 $0xF0;
	[sflag:s13] =	ssyncadd.s32 $0xFFFFF600  }
0x26: {  	[spmem:s2] =	stream.indirect.scatter.add.f32 [tilespmem:s12], [sflag:$0x1], $0x20, s17, s14, $0xb8;
	[tilespmem:$0x8110] =	vst v63  }
0x27: {  	_ =	swait.ge [sflag:s13], $0xA00  }
0x28: {  	[sflag:s13] =	ssyncset.done $0x0  }
0x29: {  	s31 =	simm.s32 $0x140;
	[sflag:s13] =	ssyncadd.s32 $0xFFFFF600  }
0x2a: {  	[spmem:s2] =	stream.indirect.scatter.add.f32 [tilespmem:s12], [sflag:$0x1], $0x20, s31, s14, $0xb8;
	[tilespmem:$0x8110] =	vst v63  }
0x2b: {  	_ =	swait.ge [sflag:s13], $0xA00  }
0x2c: {  	s18 =	simm.s32 $0xFFFF6C80;
	s17 =	simm.s32 $0xFFFFDA80;
	[sflag:s13] =	ssyncset.done $0x0  }
.LBB2_2:
0x2d: {  	s19 =	sadd.s32 $0x2710, s17  }
0x2e: {  	[sflag:s13] =	ssyncadd.s32 $0xFFFFF600;
	s20 =	smov.u32 s18;
	s21 =	sadd.s32 $0x280, s18  }
0x2f: {  	[spmem:s2] =	stream.indirect.scatter.add.f32 [tilespmem:s12], [sflag:$0x1], $0x20, s19, s14, $0xb8;
	[tilespmem:$0x8110] =	vst v63  }
0x30: {  	p0 =	sne.s32 s18, $0xFFFFFD80;
	_ =	swait.ge [sflag:s13], $0xA00  }
.Ltmp0:
0x31: {  	[sflag:s13] =	ssyncset.done $0x0;
	(pc) =	sbr.rel @p0 .LBB2_2-.Ltmp0, $4  }
0x32: {  	s17 =	sadd.s32 $0x2760, s17;
	[sflag:s13] =	ssyncadd.s32 $0xFFFFF600  }
0x33: {  	[spmem:s2] =	stream.indirect.scatter.add.f32 [tilespmem:s12], [sflag:$0x1], $0x20, s17, s14, $0xb8;
	[tilespmem:$0x8110] =	vst v63  }
0x34: {  	_ =	swait.ge [sflag:s13], $0xA00  }
0x35: {  	s18 =	smov.u32 s21;
	s17 =	sshra.s32 s20, $0x2;
	[sflag:s13] =	ssyncset.done $0x0  }
0x36: {  	s18 =	sadd.s32 $0x2710, s17;
	[sflag:s13] =	ssyncadd.s32 $0xFFFFF600  }
0x37: {  	[spmem:s2] =	stream.indirect.scatter.add.f32 [tilespmem:s12], [sflag:$0x1], $0x20, s18, s14, $0xb8;
	[tilespmem:$0x8110] =	vst v63  }
0x38: {  	_ =	swait.ge [sflag:s13], $0xA00  }
0x39: {  	[sflag:s13] =	ssyncset.done $0x0  }
0x3a: {  	s31 =	sadd.s32 $0x2760, s17;
	[sflag:s13] =	ssyncadd.s32 $0xFFFFF600  }
0x3b: {  	[spmem:s2] =	stream.indirect.scatter.add.f32 [tilespmem:s12], [sflag:$0x1], $0x20, s31, s14, $0xb8;
	[tilespmem:$0x8110] =	vst v63  }
0x3c: {  	_ =	swait.ge [sflag:s13], $0xA00  }
0x3d: {  	[sflag:s13] =	ssyncset.done $0x0  }
0x3e: {  	[sflag:s13] =	ssyncadd.s32 $0xFFFFF600  }
0x3f: {  	_ =	swait.ge [sflag:s13], $0xA00  }
0x40: {  	s16 =	sadd.s32 $0x1, s16;
	[sflag:s13] =	ssyncset.done $0x0  }
0x41: {  	p0 =	sne.s32 s16, s9;
	[sflag:s13] =	ssyncadd.s32 $0xFFFFF600  }
.Ltmp1:
0x42: {  	[bflag:$0x0] =	sbarrier.arrive $0xFFFF;
	(pc) =	sbr.rel @p0 .LBB2_1-.Ltmp1, $4  }
0x43: {  	[hbm:s8], [sflag:s7] =	dma.local [spmem:s10], $0xA00  }
0x44: {  	_ =	swait.ge [sflag:s11], $0xA00  }
0x45: {  	[sflag:s11] =	ssyncset.done $0x0  }
0x46: {  	[sflag:s11] =	ssyncadd.s32 $0xFFFFF600  }
0x47: {  	_ =	sfence.sel $0x180000  }
0x48: {  	[bflag:$0x0] =	sbarrier.arrive $0xFFFF  }
0x49: {  	p0 =	sne.s32 s0, $0x0;
	_ =	strace $0x90000047  }
0x4a: {  	s0 =	sadd.s32 @!p0 $0x100000, s1;
	[bflag:$0x2] =	sbarrier.arrive $0xFFFF  }
0x4b: {  	[sflag:s0] =	ssyncadd.tile.s32 @!p0 $0x1;
	_ =	shalt  }
.Lfunc_end2:
_tile_overlayer_lowered:
.L_overlay_start_2:
0x4c: {  	(tag) =	ssettag $0x2  }
0x4d: {  	s0 =	rddreg [dreg:$0x0];
	s2 =	stileid.u32  }
0x4e: {  	s1 =	rddreg [dreg:$0x1];
	p0 =	sne.s32 s2, $0x0  }
0x4f: {  	s3 =	rddreg [dreg:$0x2];
	[bflag:$0x3] =	sbarrier.arrive $0xFFFF;
	s2 =	simm.s32 @!p0 $0x1C02  }
0x50: {  	[timem:s3], [sflag:s2] =	dma.local @!p0 [hbm:s0], s1  }
0x51: {  	s0 =	simm.s32 @!p0 $0x2  }
0x52: {  	_ =	swait.ge @!p0 [sflag:s0], s1  }
0x53: {  	s1 =	ssub.s32 @!p0 $0x0, s1;
	[sflag:s0] =	ssyncset.done @!p0 $0x0  }
0x54: {  	[sflag:s0] =	ssyncadd.s32 @!p0 s1  }
0x55: {  	[bflag:$0x3] =	sbarrier.arrive $0xFFFF  }
0x56: {  	_ =	shalt  }

</sc_bundles>
